<compile_context>
chip_gen: v7x
topology: tpu7x:2x2x1
jax: 0.10.2.dev20260603
libtpu: 0.0.44.dev20260713+nightly
codegen_flags: <defaults>
</compile_context>

<pallas_src>
import functools

import jax
import jax.numpy as jnp
from jax import lax
from jax.experimental import pallas as pl
from jax.experimental.pallas import tpu as pltpu
from jax.experimental.pallas import tpu_sc as plsc

_NUM_CORES = 2
_NUM_SUBCORES = 16
_NW = _NUM_CORES * _NUM_SUBCORES
_LANES = 16


def _gather_body(chunk, n_chunks, x_hbm, offs_hbm, table_hbm, out_hbm,
                 offs_v, idx_v, rows_v, sem):
    wid = lax.axis_index("s") * _NUM_CORES + lax.axis_index("c")
    base = wid * (chunk * n_chunks)
    pltpu.sync_copy(offs_hbm, offs_v)

    @pl.loop(0, n_chunks)
    def _chunk(g):
        cbase = base + g * chunk
        pltpu.sync_copy(x_hbm.at[pl.ds(cbase, chunk)], idx_v)

        @pl.loop(0, chunk // _LANES, unroll=8)
        def _add(i):
            s = pl.ds(i * _LANES, _LANES)
            idx_v[s] = idx_v[s] + offs_v[s]

        pltpu.async_copy(table_hbm.at[idx_v], rows_v, sem).wait()
        pltpu.sync_copy(rows_v, out_hbm.at[pl.ds(cbase, chunk)])


def kernel(x, table, offsets):
    batch, num_fields = x.shape
    dim = table.shape[1]
    total = batch * num_fields

    chunk = 1664
    assert total % (_NW * chunk) == 0 and chunk % num_fields == 0
    n_chunks = total // (_NW * chunk)

    x_flat = x.reshape(total)
    offs_tile = jnp.tile(offsets.astype(jnp.int32), chunk // num_fields)

    mesh = plsc.VectorSubcoreMesh(core_axis_name="c", subcore_axis_name="s")
    run = pl.kernel(
        functools.partial(_gather_body, chunk, n_chunks),
        out_type=jax.ShapeDtypeStruct((total, dim), table.dtype),
        mesh=mesh,
        scratch_types=[
            pltpu.VMEM((chunk,), jnp.int32),
            pltpu.VMEM((chunk,), jnp.int32),
            pltpu.VMEM((chunk, dim), table.dtype),
            pltpu.SemaphoreType.DMA,
        ],
        compiler_params=pltpu.CompilerParams(use_tc_tiling_on_sc=False),
    )
    out_flat = run(x_flat, offs_tile, table)
    return out_flat.reshape(batch, num_fields, dim)

# --- scband reference (transcript-rebuilt; emitter-appended) ---
"""Pipeline reference for scband-cat-embedding-55972013802269 (READ-ONLY COPY).

The authoritative reference and input builder live on the scoring server;
editing this copy changes nothing except your own understanding.
"""

import jax, jax.numpy as jnp
import numpy as np

NUM_FIELDS = 26
CATS_PER_FIELD = 100000
BATCH = 16384
DIM = 32

def setup_inputs(seed: int = 0) -> dict:
    key = jax.random.key(seed)
    k1, k2 = jax.random.split(key)
    categories = np.full(NUM_FIELDS, CATS_PER_FIELD, dtype=np.int64)
    offsets = np.concatenate([np.zeros(1, dtype=np.int64), np.cumsum(categories)[:-1]])
    x = jax.random.randint(k1, (BATCH, NUM_FIELDS), 0, CATS_PER_FIELD, dtype=jnp.int32)
    table = jax.random.normal(k2, (int(categories.sum()), DIM), dtype=jnp.float32) * 0.001
    return {"x": x, "table": table, "offsets": jnp.asarray(offsets, dtype=jnp.int32)}

def reference(x, table, offsets):
    # CatEmbedding.forward: shift per-field indices into the shared table, then gather.
    idx = x + offsets[None, :]            # [B, F]
    out = jnp.take(table, idx, axis=0)    # [B, F, D]  (bias=False, normalize_emb=False)
    return out

if __name__ == "__main__":
    import jax
    _d = setup_inputs()
    print(jax.jit(kernel)(*tuple(_d.values())))

</pallas_src>

<mosaic_0001>
#map = affine_map<(d0, d1) -> (0)>
#map1 = affine_map<(d0, d1) -> (0, 0)>
module attributes {stable_mosaic.version = 14 : i64} {
  func.func @_gather_body(%arg0: i32, %arg1: i32, %arg2: memref<425984xi32, #tpu.memory_space<hbm>>, %arg3: memref<1664xi32, #tpu.memory_space<hbm>>, %arg4: memref<2600000x32xf32, #tpu.memory_space<hbm>>, %arg5: memref<425984x32xf32, #tpu.memory_space<hbm>>, %arg6: memref<1664xi32, #tpu.memory_space<vmem>>, %arg7: memref<1664xi32, #tpu.memory_space<vmem>>, %arg8: memref<1664x32xf32, #tpu.memory_space<vmem>>, %arg9: memref<!tpu.dma_semaphore, #tpu.memory_space<semaphore_mem>>) attributes {dimension_semantics = [#tpu.dimension_semantics<core_parallel>, #tpu.dimension_semantics<subcore_parallel>], iteration_bounds = array<i64: 2, 16>, scalar_prefetch = 0 : i64, scratch_operands = 4 : i64, tpu.core_type = #tpu.core_type<sc_vector_subcore>, window_params = [{transform_indices = #map}, {transform_indices = #map}, {transform_indices = #map1}, {transform_indices = #map1}]} {
    %mul3A = arith.constant 2 : i32
    %mul3A_0 = arith.muli %arg1, %mul3A : i32
    %add3A = arith.addi %mul3A_0, %arg0 : i32
    %mul3A_1 = arith.constant 13312 : i32
    %mul3A_2 = arith.muli %add3A, %mul3A_1 : i32
    "tpu.region"() ({
      %run_scoped3A = tpu.sem_alloc : memref<!tpu.dma_semaphore, #tpu.memory_space<semaphore_mem>>
      tpu.enqueue_dma source(%arg3 : memref<1664xi32, #tpu.memory_space<hbm>>) target(%arg6 : memref<1664xi32, #tpu.memory_space<vmem>>) target_semaphore(%run_scoped3A : memref<!tpu.dma_semaphore, #tpu.memory_space<semaphore_mem>>)
      tpu.wait_dma2 semaphore(%run_scoped3A : memref<!tpu.dma_semaphore, #tpu.memory_space<semaphore_mem>>) src(%arg3 : memref<1664xi32, #tpu.memory_space<hbm>>) dst(%arg6 : memref<1664xi32, #tpu.memory_space<vmem>>)
      tpu.yield
    }) : () -> ()
    %scan3A = arith.constant 0 : i32
    %scan3A_3 = arith.constant 8 : i32
    %scan3A_4 = arith.addi %scan3A, %scan3A_3 : i32
    %scan3A_5 = arith.constant 1 : i32
    scf.for %scan3A_7 = %scan3A to %scan3A_4 step %scan3A_5  : i32 {
      %mul3A_8 = arith.constant 1 : i32
      %mul3A_9 = arith.muli %scan3A_7, %mul3A_8 : i32
      %add3A_10 = arith.constant 0 : i32
      %add3A_11 = arith.addi %add3A_10, %mul3A_9 : i32
      %mul3A_12 = arith.constant 1664 : i32
      %mul3A_13 = arith.muli %add3A_11, %mul3A_12 : i32
      %add3A_14 = arith.addi %mul3A_2, %mul3A_13 : i32
      "tpu.region"() ({
        %run_scoped3A = tpu.sem_alloc : memref<!tpu.dma_semaphore, #tpu.memory_space<semaphore_mem>>
        %dma_start3A_24 = tpu.memref_slice %arg2[%add3A_14] : memref<425984xi32, #tpu.memory_space<hbm>> -> memref<1664xi32, #tpu.memory_space<hbm>>
        %dma_start3A_25 = tpu.memref_slice %arg2[%add3A_14] : memref<425984xi32, #tpu.memory_space<hbm>> -> memref<1664xi32, #tpu.memory_space<hbm>>
        tpu.enqueue_dma source(%dma_start3A_25 : memref<1664xi32, #tpu.memory_space<hbm>>) target(%arg7 : memref<1664xi32, #tpu.memory_space<vmem>>) target_semaphore(%run_scoped3A : memref<!tpu.dma_semaphore, #tpu.memory_space<semaphore_mem>>)
        %dma_wait3A_26 = tpu.memref_slice %arg2[%add3A_14] : memref<425984xi32, #tpu.memory_space<hbm>> -> memref<1664xi32, #tpu.memory_space<hbm>>
        %dma_wait3A_27 = tpu.memref_slice %arg2[%add3A_14] : memref<425984xi32, #tpu.memory_space<hbm>> -> memref<1664xi32, #tpu.memory_space<hbm>>
        tpu.wait_dma2 semaphore(%run_scoped3A : memref<!tpu.dma_semaphore, #tpu.memory_space<semaphore_mem>>) src(%dma_wait3A_27 : memref<1664xi32, #tpu.memory_space<hbm>>) dst(%arg7 : memref<1664xi32, #tpu.memory_space<vmem>>)
        tpu.yield
      }) : () -> ()
      %scan3A_15 = arith.constant 0 : i32
      %scan3A_16 = arith.constant 104 : i32
      %scan3A_17 = arith.addi %scan3A_15, %scan3A_16 : i32
      %scan3A_18 = arith.constant 8 : i32
      scf.for %scan3A_24 = %scan3A_15 to %scan3A_17 step %scan3A_18  : i32 {
        %mul3A_25 = arith.constant 1 : i32
        %mul3A_26 = arith.muli %scan3A_24, %mul3A_25 : i32
        %add3A_27 = arith.constant 0 : i32
        %add3A_28 = arith.addi %add3A_27, %mul3A_26 : i32
        %mul3A_29 = arith.constant 16 : i32
        %mul3A_30 = arith.muli %add3A_28, %mul3A_29 : i32
        %get3A = arith.index_cast %mul3A_30 : i32 to index
        %get3A_31 = tpu.vector_load %arg7[%get3A] {strides = array<i32>} : memref<1664xi32, #tpu.memory_space<vmem>>, vector<16xi32>,
        %get3A_32 = vector.shape_cast %get3A_31 : vector<16xi32> to vector<16xi32>
        %get3A_33 = arith.index_cast %mul3A_30 : i32 to index
        %get3A_34 = tpu.vector_load %arg6[%get3A_33] {strides = array<i32>} : memref<1664xi32, #tpu.memory_space<vmem>>, vector<16xi32>,
        %get3A_35 = vector.shape_cast %get3A_34 : vector<16xi32> to vector<16xi32>
        %add3A_36 = arith.addi %get3A_32, %get3A_35 : vector<16xi32>
        %swap3A = arith.index_cast %mul3A_30 : i32 to index
        %swap3A_37 = tpu.vector_load %arg7[%swap3A] {strides = array<i32>} : memref<1664xi32, #tpu.memory_space<vmem>>, vector<16xi32>,
        %swap3A_38 = vector.shape_cast %swap3A_37 : vector<16xi32> to vector<16xi32>
        %swap3A_39 = vector.shape_cast %add3A_36 : vector<16xi32> to vector<16xi32>
        tpu.vector_store %arg7[%swap3A], %swap3A_39 {strides = array<i32>} : memref<1664xi32, #tpu.memory_space<vmem>>, vector<16xi32>,
        %scan3A_40 = arith.constant 1 : i32
        %scan3A_41 = arith.addi %scan3A_24, %scan3A_40 : i32
        %mul3A_42 = arith.constant 1 : i32
        %mul3A_43 = arith.muli %scan3A_41, %mul3A_42 : i32
        %add3A_44 = arith.constant 0 : i32
        %add3A_45 = arith.addi %add3A_44, %mul3A_43 : i32
        %mul3A_46 = arith.constant 16 : i32
        %mul3A_47 = arith.muli %add3A_45, %mul3A_46 : i32
        %get3A_48 = arith.index_cast %mul3A_47 : i32 to index
        %get3A_49 = tpu.vector_load %arg7[%get3A_48] {strides = array<i32>} : memref<1664xi32, #tpu.memory_space<vmem>>, vector<16xi32>,
        %get3A_50 = vector.shape_cast %get3A_49 : vector<16xi32> to vector<16xi32>
        %get3A_51 = arith.index_cast %mul3A_47 : i32 to index
        %get3A_52 = tpu.vector_load %arg6[%get3A_51] {strides = array<i32>} : memref<1664xi32, #tpu.memory_space<vmem>>, vector<16xi32>,
        %get3A_53 = vector.shape_cast %get3A_52 : vector<16xi32> to vector<16xi32>
        %add3A_54 = arith.addi %get3A_50, %get3A_53 : vector<16xi32>
        %swap3A_55 = arith.index_cast %mul3A_47 : i32 to index
        %swap3A_56 = tpu.vector_load %arg7[%swap3A_55] {strides = array<i32>} : memref<1664xi32, #tpu.memory_space<vmem>>, vector<16xi32>,
        %swap3A_57 = vector.shape_cast %swap3A_56 : vector<16xi32> to vector<16xi32>
        %swap3A_58 = vector.shape_cast %add3A_54 : vector<16xi32> to vector<16xi32>
        tpu.vector_store %arg7[%swap3A_55], %swap3A_58 {strides = array<i32>} : memref<1664xi32, #tpu.memory_space<vmem>>, vector<16xi32>,
        %scan3A_59 = arith.constant 2 : i32
        %scan3A_60 = arith.addi %scan3A_24, %scan3A_59 : i32
        %mul3A_61 = arith.constant 1 : i32
        %mul3A_62 = arith.muli %scan3A_60, %mul3A_61 : i32
        %add3A_63 = arith.constant 0 : i32
        %add3A_64 = arith.addi %add3A_63, %mul3A_62 : i32
        %mul3A_65 = arith.constant 16 : i32
        %mul3A_66 = arith.muli %add3A_64, %mul3A_65 : i32
        %get3A_67 = arith.index_cast %mul3A_66 : i32 to index
        %get3A_68 = tpu.vector_load %arg7[%get3A_67] {strides = array<i32>} : memref<1664xi32, #tpu.memory_space<vmem>>, vector<16xi32>,
        %get3A_69 = vector.shape_cast %get3A_68 : vector<16xi32> to vector<16xi32>
        %get3A_70 = arith.index_cast %mul3A_66 : i32 to index
        %get3A_71 = tpu.vector_load %arg6[%get3A_70] {strides = array<i32>} : memref<1664xi32, #tpu.memory_space<vmem>>, vector<16xi32>,
        %get3A_72 = vector.shape_cast %get3A_71 : vector<16xi32> to vector<16xi32>
        %add3A_73 = arith.addi %get3A_69, %get3A_72 : vector<16xi32>
        %swap3A_74 = arith.index_cast %mul3A_66 : i32 to index
        %swap3A_75 = tpu.vector_load %arg7[%swap3A_74] {strides = array<i32>} : memref<1664xi32, #tpu.memory_space<vmem>>, vector<16xi32>,
        %swap3A_76 = vector.shape_cast %swap3A_75 : vector<16xi32> to vector<16xi32>
        %swap3A_77 = vector.shape_cast %add3A_73 : vector<16xi32> to vector<16xi32>
        tpu.vector_store %arg7[%swap3A_74], %swap3A_77 {strides = array<i32>} : memref<1664xi32, #tpu.memory_space<vmem>>, vector<16xi32>,
        %scan3A_78 = arith.constant 3 : i32
        %scan3A_79 = arith.addi %scan3A_24, %scan3A_78 : i32
        %mul3A_80 = arith.constant 1 : i32
        %mul3A_81 = arith.muli %scan3A_79, %mul3A_80 : i32
        %add3A_82 = arith.constant 0 : i32
        %add3A_83 = arith.addi %add3A_82, %mul3A_81 : i32
        %mul3A_84 = arith.constant 16 : i32
        %mul3A_85 = arith.muli %add3A_83, %mul3A_84 : i32
        %get3A_86 = arith.index_cast %mul3A_85 : i32 to index
        %get3A_87 = tpu.vector_load %arg7[%get3A_86] {strides = array<i32>} : memref<1664xi32, #tpu.memory_space<vmem>>, vector<16xi32>,
        %get3A_88 = vector.shape_cast %get3A_87 : vector<16xi32> to vector<16xi32>
        %get3A_89 = arith.index_cast %mul3A_85 : i32 to index
        %get3A_90 = tpu.vector_load %arg6[%get3A_89] {strides = array<i32>} : memref<1664xi32, #tpu.memory_space<vmem>>, vector<16xi32>,
        %get3A_91 = vector.shape_cast %get3A_90 : vector<16xi32> to vector<16xi32>
        %add3A_92 = arith.addi %get3A_88, %get3A_91 : vector<16xi32>
        %swap3A_93 = arith.index_cast %mul3A_85 : i32 to index
        %swap3A_94 = tpu.vector_load %arg7[%swap3A_93] {strides = array<i32>} : memref<1664xi32, #tpu.memory_space<vmem>>, vector<16xi32>,
        %swap3A_95 = vector.shape_cast %swap3A_94 : vector<16xi32> to vector<16xi32>
        %swap3A_96 = vector.shape_cast %add3A_92 : vector<16xi32> to vector<16xi32>
        tpu.vector_store %arg7[%swap3A_93], %swap3A_96 {strides = array<i32>} : memref<1664xi32, #tpu.memory_space<vmem>>, vector<16xi32>,
        %scan3A_97 = arith.constant 4 : i32
        %scan3A_98 = arith.addi %scan3A_24, %scan3A_97 : i32
        %mul3A_99 = arith.constant 1 : i32
        %mul3A_100 = arith.muli %scan3A_98, %mul3A_99 : i32
        %add3A_101 = arith.constant 0 : i32
        %add3A_102 = arith.addi %add3A_101, %mul3A_100 : i32
        %mul3A_103 = arith.constant 16 : i32
        %mul3A_104 = arith.muli %add3A_102, %mul3A_103 : i32
        %get3A_105 = arith.index_cast %mul3A_104 : i32 to index
        %get3A_106 = tpu.vector_load %arg7[%get3A_105] {strides = array<i32>} : memref<1664xi32, #tpu.memory_space<vmem>>, vector<16xi32>,
        %get3A_107 = vector.shape_cast %get3A_106 : vector<16xi32> to vector<16xi32>
        %get3A_108 = arith.index_cast %mul3A_104 : i32 to index
        %get3A_109 = tpu.vector_load %arg6[%get3A_108] {strides = array<i32>} : memref<1664xi32, #tpu.memory_space<vmem>>, vector<16xi32>,
        %get3A_110 = vector.shape_cast %get3A_109 : vector<16xi32> to vector<16xi32>
        %add3A_111 = arith.addi %get3A_107, %get3A_110 : vector<16xi32>
        %swap3A_112 = arith.index_cast %mul3A_104 : i32 to index
        %swap3A_113 = tpu.vector_load %arg7[%swap3A_112] {strides = array<i32>} : memref<1664xi32, #tpu.memory_space<vmem>>, vector<16xi32>,
        %swap3A_114 = vector.shape_cast %swap3A_113 : vector<16xi32> to vector<16xi32>
        %swap3A_115 = vector.shape_cast %add3A_111 : vector<16xi32> to vector<16xi32>
        tpu.vector_store %arg7[%swap3A_112], %swap3A_115 {strides = array<i32>} : memref<1664xi32, #tpu.memory_space<vmem>>, vector<16xi32>,
        %scan3A_116 = arith.constant 5 : i32
        %scan3A_117 = arith.addi %scan3A_24, %scan3A_116 : i32
        %mul3A_118 = arith.constant 1 : i32
        %mul3A_119 = arith.muli %scan3A_117, %mul3A_118 : i32
        %add3A_120 = arith.constant 0 : i32
        %add3A_121 = arith.addi %add3A_120, %mul3A_119 : i32
        %mul3A_122 = arith.constant 16 : i32
        %mul3A_123 = arith.muli %add3A_121, %mul3A_122 : i32
        %get3A_124 = arith.index_cast %mul3A_123 : i32 to index
        %get3A_125 = tpu.vector_load %arg7[%get3A_124] {strides = array<i32>} : memref<1664xi32, #tpu.memory_space<vmem>>, vector<16xi32>,
        %get3A_126 = vector.shape_cast %get3A_125 : vector<16xi32> to vector<16xi32>
        %get3A_127 = arith.index_cast %mul3A_123 : i32 to index
        %get3A_128 = tpu.vector_load %arg6[%get3A_127] {strides = array<i32>} : memref<1664xi32, #tpu.memory_space<vmem>>, vector<16xi32>,
        %get3A_129 = vector.shape_cast %get3A_128 : vector<16xi32> to vector<16xi32>
        %add3A_130 = arith.addi %get3A_126, %get3A_129 : vector<16xi32>
        %swap3A_131 = arith.index_cast %mul3A_123 : i32 to index
        %swap3A_132 = tpu.vector_load %arg7[%swap3A_131] {strides = array<i32>} : memref<1664xi32, #tpu.memory_space<vmem>>, vector<16xi32>,
        %swap3A_133 = vector.shape_cast %swap3A_132 : vector<16xi32> to vector<16xi32>
        %swap3A_134 = vector.shape_cast %add3A_130 : vector<16xi32> to vector<16xi32>
        tpu.vector_store %arg7[%swap3A_131], %swap3A_134 {strides = array<i32>} : memref<1664xi32, #tpu.memory_space<vmem>>, vector<16xi32>,
        %scan3A_135 = arith.constant 6 : i32
        %scan3A_136 = arith.addi %scan3A_24, %scan3A_135 : i32
        %mul3A_137 = arith.constant 1 : i32
        %mul3A_138 = arith.muli %scan3A_136, %mul3A_137 : i32
        %add3A_139 = arith.constant 0 : i32
        %add3A_140 = arith.addi %add3A_139, %mul3A_138 : i32
        %mul3A_141 = arith.constant 16 : i32
        %mul3A_142 = arith.muli %add3A_140, %mul3A_141 : i32
        %get3A_143 = arith.index_cast %mul3A_142 : i32 to index
        %get3A_144 = tpu.vector_load %arg7[%get3A_143] {strides = array<i32>} : memref<1664xi32, #tpu.memory_space<vmem>>, vector<16xi32>,
        %get3A_145 = vector.shape_cast %get3A_144 : vector<16xi32> to vector<16xi32>
        %get3A_146 = arith.index_cast %mul3A_142 : i32 to index
        %get3A_147 = tpu.vector_load %arg6[%get3A_146] {strides = array<i32>} : memref<1664xi32, #tpu.memory_space<vmem>>, vector<16xi32>,
        %get3A_148 = vector.shape_cast %get3A_147 : vector<16xi32> to vector<16xi32>
        %add3A_149 = arith.addi %get3A_145, %get3A_148 : vector<16xi32>
        %swap3A_150 = arith.index_cast %mul3A_142 : i32 to index
        %swap3A_151 = tpu.vector_load %arg7[%swap3A_150] {strides = array<i32>} : memref<1664xi32, #tpu.memory_space<vmem>>, vector<16xi32>,
        %swap3A_152 = vector.shape_cast %swap3A_151 : vector<16xi32> to vector<16xi32>
        %swap3A_153 = vector.shape_cast %add3A_149 : vector<16xi32> to vector<16xi32>
        tpu.vector_store %arg7[%swap3A_150], %swap3A_153 {strides = array<i32>} : memref<1664xi32, #tpu.memory_space<vmem>>, vector<16xi32>,
        %scan3A_154 = arith.constant 7 : i32
        %scan3A_155 = arith.addi %scan3A_24, %scan3A_154 : i32
        %mul3A_156 = arith.constant 1 : i32
        %mul3A_157 = arith.muli %scan3A_155, %mul3A_156 : i32
        %add3A_158 = arith.constant 0 : i32
        %add3A_159 = arith.addi %add3A_158, %mul3A_157 : i32
        %mul3A_160 = arith.constant 16 : i32
        %mul3A_161 = arith.muli %add3A_159, %mul3A_160 : i32
        %get3A_162 = arith.index_cast %mul3A_161 : i32 to index
        %get3A_163 = tpu.vector_load %arg7[%get3A_162] {strides = array<i32>} : memref<1664xi32, #tpu.memory_space<vmem>>, vector<16xi32>,
        %get3A_164 = vector.shape_cast %get3A_163 : vector<16xi32> to vector<16xi32>
        %get3A_165 = arith.index_cast %mul3A_161 : i32 to index
        %get3A_166 = tpu.vector_load %arg6[%get3A_165] {strides = array<i32>} : memref<1664xi32, #tpu.memory_space<vmem>>, vector<16xi32>,
        %get3A_167 = vector.shape_cast %get3A_166 : vector<16xi32> to vector<16xi32>
        %add3A_168 = arith.addi %get3A_164, %get3A_167 : vector<16xi32>
        %swap3A_169 = arith.index_cast %mul3A_161 : i32 to index
        %swap3A_170 = tpu.vector_load %arg7[%swap3A_169] {strides = array<i32>} : memref<1664xi32, #tpu.memory_space<vmem>>, vector<16xi32>,
        %swap3A_171 = vector.shape_cast %swap3A_170 : vector<16xi32> to vector<16xi32>
        %swap3A_172 = vector.shape_cast %add3A_168 : vector<16xi32> to vector<16xi32>
        tpu.vector_store %arg7[%swap3A_169], %swap3A_172 {strides = array<i32>} : memref<1664xi32, #tpu.memory_space<vmem>>, vector<16xi32>,
      }
      %scan3A_19 = arith.constant 104 : i32
      %dma_start3A = arith.constant 0 : i32
      %dma_start3A_20 = arith.constant 0 : i32
      %dma_start3A_21 = tpu.memref_slice %arg4[%dma_start3A, %dma_start3A_20] : memref<2600000x32xf32, #tpu.memory_space<hbm>> -> memref<2600000x32xf32, #tpu.memory_space<hbm>>
      tpu.enqueue_indirect_dma source(%dma_start3A_21 : memref<2600000x32xf32, #tpu.memory_space<hbm>>) target(%arg8 : memref<1664x32xf32, #tpu.memory_space<vmem>>) offsets(%arg7 : memref<1664xi32, #tpu.memory_space<vmem>>) semaphore(%arg9 : memref<!tpu.dma_semaphore, #tpu.memory_space<semaphore_mem>>)
      %dma_wait3A = arith.constant 0 : i32
      %dma_wait3A_22 = arith.constant 0 : i32
      %dma_wait3A_23 = tpu.memref_slice %arg4[%dma_wait3A, %dma_wait3A_22] : memref<2600000x32xf32, #tpu.memory_space<hbm>> -> memref<2600000x32xf32, #tpu.memory_space<hbm>>
      tpu.wait_indirect_dma semaphore(%arg9 : memref<!tpu.dma_semaphore, #tpu.memory_space<semaphore_mem>>) src(%dma_wait3A_23 : memref<2600000x32xf32, #tpu.memory_space<hbm>>) dst(%arg8 : memref<1664x32xf32, #tpu.memory_space<vmem>>)
      "tpu.region"() ({
        %run_scoped3A = tpu.sem_alloc : memref<!tpu.dma_semaphore, #tpu.memory_space<semaphore_mem>>
        %dma_start3A_24 = arith.constant 0 : i32
        %dma_start3A_25 = tpu.memref_slice %arg5[%add3A_14, %dma_start3A_24] : memref<425984x32xf32, #tpu.memory_space<hbm>> -> memref<1664x32xf32, #tpu.memory_space<hbm>>
        %dma_start3A_26 = arith.constant 0 : i32
        %dma_start3A_27 = tpu.memref_slice %arg5[%add3A_14, %dma_start3A_26] : memref<425984x32xf32, #tpu.memory_space<hbm>> -> memref<1664x32xf32, #tpu.memory_space<hbm>>
        tpu.enqueue_dma source(%arg8 : memref<1664x32xf32, #tpu.memory_space<vmem>>) target(%dma_start3A_27 : memref<1664x32xf32, #tpu.memory_space<hbm>>) target_semaphore(%run_scoped3A : memref<!tpu.dma_semaphore, #tpu.memory_space<semaphore_mem>>)
        %dma_wait3A_28 = arith.constant 0 : i32
        %dma_wait3A_29 = tpu.memref_slice %arg5[%add3A_14, %dma_wait3A_28] : memref<425984x32xf32, #tpu.memory_space<hbm>> -> memref<1664x32xf32, #tpu.memory_space<hbm>>
        %dma_wait3A_30 = arith.constant 0 : i32
        %dma_wait3A_31 = tpu.memref_slice %arg5[%add3A_14, %dma_wait3A_30] : memref<425984x32xf32, #tpu.memory_space<hbm>> -> memref<1664x32xf32, #tpu.memory_space<hbm>>
        tpu.wait_dma2 semaphore(%run_scoped3A : memref<!tpu.dma_semaphore, #tpu.memory_space<semaphore_mem>>) src(%arg8 : memref<1664x32xf32, #tpu.memory_space<vmem>>) dst(%dma_wait3A_31 : memref<1664x32xf32, #tpu.memory_space<hbm>>)
        tpu.yield
      }) : () -> ()
    }
    %scan3A_6 = arith.constant 8 : i32
    return
  }
}

</mosaic_0001>

<sc_bundles>
// kernel: kernel.3.cloned.1.call-start
scs
__scs_entry_jumppad:
0x0: {  	(pc) =	sbr.rel $0x88, $3  }
0x1: {  	(tag) =	ssettag $0x0;
	lr =	simm.s32 $0x1  }
0x2: {  	[smem:$0x3F9E] =	sst lr;
	_ =	strace $0xD0000000  }
0x3: {  	_ = 	snop  }
0x4: {  	_ = 	snop  }
0x5: {  	_ = 	snop  }
0x6: {  	_ = 	snop  }
0x7: {  	_ = 	snop  }
__scs_overlays_trampoline_lowered:
0x8: {  	[smem:$0x3FAD] =	sst s0  }
0x9: {  	[smem:$0x3FAE] =	sst s1  }
0xa: {  	[smem:$0x3FAF] =	sst s2  }
0xb: {  	[smem:$0x3FB0] =	sst s3  }
0xc: {  	[smem:$0x3FB1] =	sst s4  }
0xd: {  	[smem:$0x3FB2] =	sst s5  }
0xe: {  	[smem:$0x3FB3] =	sst s6  }
0xf: {  	[smem:$0x3FB4] =	sst s7  }
0x10: {  	[smem:$0x3FB5] =	sst s8  }
0x11: {  	[smem:$0x3FB6] =	sst s9;
	s0 =	simm.s32 @!p0 $0x0  }
0x12: {  	s1 =	sld [smem:$0x3F9C];
	s0 =	simm.s32 @p0 $0x1  }
0x13: {  	[smem:$0x3FB7] =	sst s0;
	s0 =	simm.s32 @!p1 $0x0  }
0x14: {  	s2 =	sld [smem:$0x3F9B];
	s0 =	simm.s32 @p1 $0x1  }
0x15: {  	[smem:$0x3FB8] =	sst s0;
	s0 =	simm.s32 @!p2 $0x0  }
0x16: {  	s3 =	sld [smem:$0x3FDB];
	s0 =	simm.s32 @p2 $0x1  }
0x17: {  	s4 =	simm.s32 $0x1BF5;
	[smem:$0x3FBA] =	sst s0  }
0x18: {  	s0 =	sld [smem:$0x3F9D];
	_ =	swait.ge [sflag:s4], $0x0  }
0x19: {  	s7 =	sld [smem:$0x3F9E]  }
0x1a: {  	s8 =	sadd.s32 $0xFFFFE003, lr  }
0x1b: {  	s9 =	sadd.s32 $0xFFFFFEF7, lr;
	s5 =	simm.s32 $0xFFFFFFFF;
	p2 =	slt.u32 s8, $0xFFFFF086  }
0x1c: {  	p1 =	slt.u32 s9, $0xF7A;
	s5 =	simm.s32 @!p2 $0x0  }
0x1d: {  	s5 =	simm.s32 @p1 $0x1;
	p0 =	seq.s32 s7, s2  }
0x1e: {  	s7 =	smul.u32 @!p0 $0xF7A, s2;
	p2 =	seq.s32 @!p0 s5, $0x0  }
0x1f: {  	s9 =	smul.u32 $0xF7A, s1;
	s8 =	simm.s32 @!p0 $0x1BF5;
	p2 =	por !p2, p0  }
0x20: {  	[sflag:s8] =	ssyncset.s32 @!p0 $0xFFFFF086;
	s6 =	sadd.s32 @!p0 s3, s7;
	s7 =	simm.s32 @!p0 $0x108  }
0x21: {  	s3 =	sadd.s32 s3, s9;
	s6 =	sadd.s32 @!p0 $0x88, s6;
	s7 =	simm.s32 @p2 $0x1082  }
0x22: {  	[simem:s7], [sflag:s8] =	dma.local @!p0 [hbm:s6], $0xF7A  }
0x23: {  	s9 =	sor.u32 $0xD0000000, s2;
	s6 =	simm.s32 $0x108;
	_ =	swait.ge @!p0 [sflag:s8], $0x0  }
0x24: {  	s3 =	sadd.s32 $0x88, s3;
	s6 =	simm.s32 @!p1 $0x1082;
	[sflag:s4] =	ssyncset.s32 $0xFFFFF086  }
0x25: {  	[simem:s6], [sflag:s4] =	dma.local [hbm:s3], $0xF7A  }
0x26: {  	[smem:$0x3F9E] =	sst s1;
	(tag) =	ssettag s2;
	_ =	strace s9  }
0x27: {  	s1 =	sld [smem:$0x3FAE]  }
0x28: {  	s2 =	sld [smem:$0x3FAF]  }
0x29: {  	s4 =	sld [smem:$0x3FB1]  }
0x2a: {  	p0 =	seq.s32 s5, $0x0;
	s5 =	sld [smem:$0x3FB2]  }
0x2b: {  	s6 =	sld [smem:$0x3FB3]  }
0x2c: {  	s7 =	sld [smem:$0x3FB4]  }
0x2d: {  	s3 =	simm.s32 $0x108;
	s8 =	sld [smem:$0x3FB5]  }
0x2e: {  	s3 =	simm.s32 @!p0 $0x1082;
	s9 =	sld [smem:$0x3FB6]  }
0x2f: {  	lr =	sadd.s32 s0, s3;
	s0 =	sld [smem:$0x3FAD]  }
0x30: {  	s3 =	sld [smem:$0x3FB0]  }
0x31: {  	[smem:$0x3FB9] =	sst s10  }
0x32: {  	s10 =	sld [smem:$0x3FB7];
	_ =	sdelay $0x3  }
0x33: {  	p0 =	seq.s32 s10, $0x1;
	s10 =	sld [smem:$0x3FB9];
	_ =	sdelay $0x3  }
0x34: {  	[smem:$0x3FB9] =	sst s10  }
0x35: {  	s10 =	sld [smem:$0x3FB8];
	_ =	sdelay $0x3  }
0x36: {  	p1 =	seq.s32 s10, $0x1;
	s10 =	sld [smem:$0x3FB9];
	_ =	sdelay $0x3  }
0x37: {  	[smem:$0x3FB9] =	sst s10  }
0x38: {  	s10 =	sld [smem:$0x3FBA]  }
0x39: {  	_ = 	snop;
	(pc) =	sbr.ind lr, $3  }
0x3a: {  	_ = 	snop  }
0x3b: {  	_ = 	snop  }
0x3c: {  	p2 =	seq.s32 s10, $0x1;
	s10 =	sld [smem:$0x3FB9]  }
0x3d: {  	_ =	shalt  }
0x3e: {  	_ =	shalt  }
0x3f: {  	_ =	shalt  }
0x40: {  	_ =	shalt  }
0x41: {  	_ =	shalt  }
0x42: {  	_ =	shalt  }
0x43: {  	_ =	shalt  }
0x44: {  	_ =	shalt  }
0x45: {  	_ =	shalt  }
0x46: {  	_ =	shalt  }
0x47: {  	_ =	shalt  }
0x48: {  	_ =	shalt  }
0x49: {  	_ =	shalt  }
0x4a: {  	_ =	shalt  }
0x4b: {  	_ =	shalt  }
0x4c: {  	_ =	shalt  }
0x4d: {  	_ =	shalt  }
0x4e: {  	_ =	shalt  }
0x4f: {  	_ =	shalt  }
0x50: {  	_ =	shalt  }
0x51: {  	_ =	shalt  }
0x52: {  	_ =	shalt  }
0x53: {  	_ =	shalt  }
0x54: {  	_ =	shalt  }
0x55: {  	_ =	shalt  }
0x56: {  	_ =	shalt  }
0x57: {  	_ =	shalt  }
0x58: {  	_ =	shalt  }
0x59: {  	_ =	shalt  }
0x5a: {  	_ =	shalt  }
0x5b: {  	_ =	shalt  }
0x5c: {  	_ =	shalt  }
0x5d: {  	_ =	shalt  }
0x5e: {  	_ =	shalt  }
0x5f: {  	_ =	shalt  }
0x60: {  	_ =	shalt  }
0x61: {  	_ =	shalt  }
0x62: {  	_ =	shalt  }
0x63: {  	_ =	shalt  }
0x64: {  	_ =	shalt  }
0x65: {  	_ =	shalt  }
0x66: {  	_ =	shalt  }
0x67: {  	_ =	shalt  }
0x68: {  	_ =	shalt  }
0x69: {  	_ =	shalt  }
0x6a: {  	_ =	shalt  }
0x6b: {  	_ =	shalt  }
0x6c: {  	_ =	shalt  }
0x6d: {  	_ =	shalt  }
0x6e: {  	_ =	shalt  }
0x6f: {  	_ =	shalt  }
0x70: {  	_ =	shalt  }
0x71: {  	_ =	shalt  }
0x72: {  	_ =	shalt  }
0x73: {  	_ =	shalt  }
0x74: {  	_ =	shalt  }
0x75: {  	_ =	shalt  }
0x76: {  	_ =	shalt  }
0x77: {  	_ =	shalt  }
0x78: {  	_ =	shalt  }
0x79: {  	_ =	shalt  }
0x7a: {  	_ =	shalt  }
0x7b: {  	_ =	shalt  }
0x7c: {  	_ =	shalt  }
0x7d: {  	_ =	shalt  }
0x7e: {  	_ =	shalt  }
0x7f: {  	_ =	shalt  }
0x80: {  	_ =	shalt  }
0x81: {  	_ =	shalt  }
0x82: {  	_ =	shalt  }
0x83: {  	_ =	shalt  }
0x84: {  	_ =	shalt  }
0x85: {  	_ =	shalt  }
0x86: {  	_ =	shalt  }
0x87: {  	_ =	shalt  }
.Lfunc_end0:
.L_simem_size_0:
called_computation.1_lowered:
.L_overlay_start_0:
0x88: {  	s2 =	sld [smem:$0x3FD9]  }
0x89: {  	s3 =	sld [smem:$0x3FFE];
	_ =	sdelay $0x1  }
0x8a: {  	s1 =	srdreg.scid  }
0x8b: {  	s0 =	sand.u32 $0x1, s1  }
0x8c: {  	s17 =	sshll.u32 s0, $0xA;
	s2 =	sadd.s32 s3, s2  }
0x8d: {  	s2 =	sadd.s32 s2, s17  }
0x8e: {  	[smem:$0x3FC5] =	sst s2  }
0x8f: {  	_ = 	snop  }
0x90: {  	s2 =	sld [smem:$0x3FD0];
	(tm) =	ssettm $0x1  }
0x91: {  	s18 =	sld [smem:$0x3FFB];
	_ =	sdelay $0x3  }
0x92: {  	_ =	strace s18  }
0x93: {  	s3 =	sld [smem:$0x3FFC];
	_ =	sdelay $0x3  }
0x94: {  	_ =	strace s3  }
0x95: {  	s3 =	sld [smem:$0x3FFD];
	_ =	sdelay $0x3  }
0x96: {  	_ =	strace s3  }
0x97: {  	_ =	strace $0x8FFFFFFF  }
0x98: {  	s19 =	sld [smem:$0x3FDB];
	_ =	sdelay $0x1  }
0x99: {  	s4 =	simm.s32 $_scs_section_size  }
0x9a: {  	s5 =	simm.s32 $_size__tile_overlayer_lowered;
	s6 =	simm.s32 $_tile_overlayer_lowered  }
0x9b: {  	s22 =	simm.s32 $0x1BFF;
	s21 =	sshll.u32 s6, $0x1;
	s3 =	sadd.s32 s4, s19  }
0x9c: {  	s7 =	simm.s32 $0x0;
	s20 =	sshll.u32 s5, $0x1;
	s5 =	sadd.s32 s21, s3  }
0x9d: {  	[timem:s7], [sflag:s22] =	dma.local [hbm:s5], s20  }
0x9e: {  	_ =	swait.ge [sflag:s22], s20  }
0x9f: {  	s4 =	ssub.s32 $0x0, s20;
	[sflag:s22] =	ssyncset.done $0x0  }
0xa0: {  	[sflag:s22] =	ssyncadd.s32 s4;
	_ =	sdelay $0x1  }
0xa1: {  	s23 =	simm.s32 $0x1B8B  }
0xa2: {  	_ =	swait.ge [sflag:s23], $0x1  }
0xa3: {  	[sflag:s23] =	ssyncset.done $0x0  }
0xa4: {  	s25 =	simm.s32 $0x1B8E;
	s24 =	sld [smem:$0x3FFE];
	[sflag:s23] =	ssyncadd.s32 $0xFFFFFFFF  }
0xa5: {  	s26 =	simm.s32 $execute0_lowered;
	[smem:$0x3FD2] =	sst s25  }
0xa6: {  	s5 =	sshll.u32 s26, $0x1;
	_ =	strace $0x80000046;
	[dreg:$0x1] =	wrdreg $0xFFFFFFFF  }
0xa7: {  	s28 =	simm.s32 $_size_execute0_lowered;
	s3 =	sadd.s32 s3, s5;
	[dreg:$0x0] =	wrdreg $0x0  }
0xa8: {  	s5 =	sshll.u32 s28, $0x1;
	[dreg:$0x2] =	wrdreg s3  }
0xa9: {  	[dreg:$0x3] =	wrdreg s5  }
0xaa: {  	[dreg:$0x4] =	wrdreg $0xC0  }
0xab: {  	_ =	task [dreg:s7], $0x5FFFF  }
0xac: {  	[dreg:$0x1] =	wrdreg $0xFFFFFFFF  }
0xad: {  	[dreg:$0x0] =	wrdreg $0x60  }
0xae: {  	[dreg:$0x2] =	wrdreg s24  }
0xaf: {  	[dreg:$0x3] =	wrdreg s2  }
0xb0: {  	[dreg:$0x4] =	wrdreg $0x9  }
0xb1: {  	_ =	task.clear_ibuf [dreg:s7], $0x5FFFF;
	_ =	strace $0x90000046  }
0xb2: {  	s29 =	simm.s32 $0x9;
	_ =	strace $0x80000048  }
0xb3: {  	_ =	swait.ge [sflag:s29], $0x1  }
0xb4: {  	[sflag:s29] =	ssyncadd.s32 $0xFFFFFFFF  }
0xb5: {  	_ =	strace $0x90000048  }
0xb6: {  	_ =	sfence  }
0xb7: {  	s30 =	sld [smem:$0x0];
	_ =	sdelay $0x2  }
0xb8: {  	s31 =	sshll.u32 s1, $0xD;
	s1 =	sshrl.u32 s1, $0x2  }
0xb9: {  	s3 =	sand.u32 $0x4000, s31;
	s1 =	sadd.s32 s1, s30  }
0xba: {  	s0 =	sor.u32 s3, s0;
	s1 =	sshll.u32 s1, $0x11  }
0xbb: {  	s0 =	sor.u32 s1, s0  }
0xbc: {  	s0 =	sadd.s32 $0x8F2B, s0  }
0xbd: {  	[sflag:s0] =	ssyncadd.remote.s32 $0x1  }
0xbe: {  	_ =	sfence.sel $0xFFFF  }
0xbf: {  	[dreg:$0x0] =	wrdreg $0xFFFFFFFF;
	(pc) =	sbr.abs _section_cstart, $3  }
0xc0: {  	[dreg:$0x1] =	wrdreg $0xFFFFFFFF  }
0xc1: {  	_ =	task.clear_ibuf [dreg:s7], $0x2FFFF;
	_ =	strace $0x9FFFFFFF  }
0xc2: {  	(tm) =	ssettm $0x7FFFFFFF  }
0xc3: {  	_ =	shalt  }
tec
execute0_lowered:
.L_overlay_start_1:
0x0: {  	(tag) =	ssettag $0x1  }
0x1: {  	s6 =	rddreg [dreg:$0x0]  }
0x2: {  	s1 =	rddreg [dreg:$0x1]  }
0x3: {  	s0 =	rddreg [dreg:$0x2]  }
0x4: {  	s3 =	simm.s32 $0x0;
	s4 =	srdreg.scid;
	s2 =	stileid.u32  }
0x5: {  	s11 =	simm.s32 $0xD00;
	s12 =	simm.s32 $0x1;
	s13 =	simm.s32 $0x0  }
0x6: {  	[smem:$0x7FF] =	sst s3;
	s7 =	sand.u32 $0x1, s4;
	s4 =	sadd.s32 $0xC00, s6  }
0x7: {  	s9 =	sshll.u32 s2, $0x1;
	s5 =	sadd.s32 $0xDC00, s6;
	s8 =	ssub.s32 $0x2, s7  }
0x8: {  	s6 =	sadd.s32 $0x27AD000, s6;
	_ =	strace $0x80000047;
	s10 =	sshrl.u32 s8, $0x1  }
0x9: {  	s7 =	sor.u32 s7, s9;
	s9 =	simm.s32 $0x2;
	s8 =	ssub.s32 s8, s10  }
0xa: {  	s7 =	smul.u32 $0x3400, s7;
	s10 =	simm.s32 $0x680;
	s8 =	smax.u32 s8, $0x1  }
.LBB2_1:
0xb: {  	[tilespmem:s3], [sflag:$0x2] =	stream.linear.gather [hbm4b:s5+s3], $0x680, $0x38;
	[tilespmem:$0xDD00] =	vst v63  }
0xc: {  	_ =	swait.ge [sflag:s9], $0x680  }
0xd: {  	[sflag:s9] =	ssyncset.done $0x0  }
0xe: {  	s14 =	simm.s32 $0x0;
	[sflag:s9] =	ssyncadd.s32 $0xFFFFF980  }
.LBB2_2:
0xf: {  	s15 =	smul.u32 $0x680, s14;
	_ =	sdelay $0x1  }
0x10: {  	s15 =	sadd.s32 s7, s15  }
0x11: {  	s16 =	sshrl.u32 s15, $0x3  }
0x12: {  	s16 =	sadd.s32 s4, s16  }
0x13: {  	[tilespmem:s10], [sflag:$0x2] =	stream.linear.gather [hbm4b:s16+s3], $0x680, $0x38;
	[tilespmem:$0xDD00] =	vst v63  }
0x14: {  	_ =	swait.ge [sflag:s9], $0x680  }
0x15: {  	[sflag:s9] =	ssyncset.done $0x0  }
0x16: {  	s16 =	simm.s32 $0x6C0;
	[sflag:s9] =	ssyncadd.s32 $0xFFFFF980  }
0x17: {  	s17 =	simm.s32 $0x40;
	v0 =	vld [tilespmem:s16+$0xFFFFFFC0]  }
0x18: {  	v1 =	vld [tilespmem:s17+$0xFFFFFFC0];
	_ =	sdelay $0x4  }
0x19: {  	v0 =	vadd.s32 v0, v1  }
0x1a: {  	[tilespmem:s16+$0xFFFFFFC0] =	vst v0;
	v0 =	vld [tilespmem:s16+$0xFFFFFFD0]  }
0x1b: {  	v1 =	vld [tilespmem:s17+$0xFFFFFFD0];
	_ =	sdelay $0x4  }
0x1c: {  	v0 =	vadd.s32 v0, v1  }
0x1d: {  	[tilespmem:s16+$0xFFFFFFD0] =	vst v0;
	v0 =	vld [tilespmem:s16+$0xFFFFFFE0]  }
0x1e: {  	v1 =	vld [tilespmem:s17+$0xFFFFFFE0];
	_ =	sdelay $0x4  }
0x1f: {  	v0 =	vadd.s32 v0, v1  }
0x20: {  	[tilespmem:s16+$0xFFFFFFE0] =	vst v0;
	v0 =	vld [tilespmem:s16+$0xFFFFFFF0]  }
0x21: {  	v1 =	vld [tilespmem:s17+$0xFFFFFFF0];
	_ =	sdelay $0x4  }
0x22: {  	v0 =	vadd.s32 v0, v1  }
0x23: {  	[tilespmem:s16+$0xFFFFFFF0] =	vst v0;
	v0 =	vld [tilespmem:s16+$0x0]  }
0x24: {  	v1 =	vld [tilespmem:s17+$0x0];
	_ =	sdelay $0x4  }
0x25: {  	v0 =	vadd.s32 v0, v1  }
0x26: {  	[tilespmem:s16+$0x0] =	vst v0;
	v0 =	vld [tilespmem:s16+$0x10]  }
0x27: {  	v1 =	vld [tilespmem:s17+$0x10];
	_ =	sdelay $0x4  }
0x28: {  	v0 =	vadd.s32 v0, v1  }
0x29: {  	[tilespmem:s16+$0x10] =	vst v0;
	v0 =	vld [tilespmem:s16+$0x20]  }
0x2a: {  	v1 =	vld [tilespmem:s17+$0x20];
	_ =	sdelay $0x4  }
0x2b: {  	v0 =	vadd.s32 v0, v1  }
0x2c: {  	[tilespmem:s16+$0x20] =	vst v0;
	v0 =	vld [tilespmem:s16+$0x30]  }
0x2d: {  	v1 =	vld [tilespmem:s17+$0x30];
	_ =	sdelay $0x4  }
0x2e: {  	s18 =	simm.s32 $0x0;
	s19 =	simm.s32 $0x740;
	v0 =	vadd.s32 v0, v1  }
.LBB2_3:
0x2f: {  	v1 =	vld [tilespmem:s19+$0xFFFFFFC0];
	[tilespmem:s16+$0x30] =	vst v0;
	s17 =	sadd.s32 $0x80, s17;
	s16 =	smov.u32 s19  }
0x30: {  	s18 =	sadd.s32 $0x8, s18;
	v0 =	vld [tilespmem:s17+$0xFFFFFFC0]  }
0x31: {  	p0 =	slt.u32 s18, $0x60;
	_ =	sdelay $0x3  }
0x32: {  	v0 =	vadd.s32 v1, v0  }
0x33: {  	[tilespmem:s19+$0xFFFFFFC0] =	vst v0;
	v0 =	vld [tilespmem:s19+$0xFFFFFFD0]  }
0x34: {  	v1 =	vld [tilespmem:s17+$0xFFFFFFD0];
	_ =	sdelay $0x4  }
0x35: {  	v0 =	vadd.s32 v0, v1  }
0x36: {  	[tilespmem:s19+$0xFFFFFFD0] =	vst v0;
	v0 =	vld [tilespmem:s19+$0xFFFFFFE0]  }
0x37: {  	v1 =	vld [tilespmem:s17+$0xFFFFFFE0];
	_ =	sdelay $0x4  }
0x38: {  	v0 =	vadd.s32 v0, v1  }
0x39: {  	[tilespmem:s19+$0xFFFFFFE0] =	vst v0;
	v0 =	vld [tilespmem:s19+$0xFFFFFFF0]  }
0x3a: {  	v1 =	vld [tilespmem:s17+$0xFFFFFFF0];
	_ =	sdelay $0x4  }
0x3b: {  	v0 =	vadd.s32 v0, v1  }
0x3c: {  	[tilespmem:s19+$0xFFFFFFF0] =	vst v0;
	v0 =	vld [tilespmem:s19+$0x0]  }
0x3d: {  	v1 =	vld [tilespmem:s17+$0x0];
	_ =	sdelay $0x4  }
0x3e: {  	v0 =	vadd.s32 v0, v1  }
0x3f: {  	[tilespmem:s19+$0x0] =	vst v0;
	v0 =	vld [tilespmem:s19+$0x10]  }
0x40: {  	v1 =	vld [tilespmem:s17+$0x10];
	_ =	sdelay $0x4  }
0x41: {  	v0 =	vadd.s32 v0, v1  }
0x42: {  	[tilespmem:s19+$0x10] =	vst v0;
	v0 =	vld [tilespmem:s19+$0x20]  }
0x43: {  	v1 =	vld [tilespmem:s17+$0x20];
	_ =	sdelay $0x4  }
0x44: {  	v0 =	vadd.s32 v0, v1  }
0x45: {  	[tilespmem:s19+$0x20] =	vst v0;
	v0 =	vld [tilespmem:s19+$0x30]  }
0x46: {  	v1 =	vld [tilespmem:s17+$0x30]  }
.Ltmp0:
0x47: {  	(pc) =	sbr.rel @p0 .LBB2_3-.Ltmp0, $2  }
0x48: {  	_ =	sdelay $0x2  }
0x49: {  	s19 =	sadd.s32 $0x80, s19;
	v0 =	vadd.s32 v0, v1  }
0x4a: {  	[tilespmem:s16+$0x30] =	vst v0  }
0x4b: {  	[tilespmem:s11], [sflag:$0x1] =	stream.indirect.gather [hbm4b:s6+s10], $0x20, s10, s10, $0xb8;
	[tilespmem:$0xDD00] =	vst v63  }
0x4c: {  	s14 =	sadd.s32 $0x1, s14;
	_ =	swait.ge [sflag:s12], $0xD000  }
0x4d: {  	s15 =	sshll.u32 s15, $0x2;
	p0 =	sne.s32 s14, $0x8;
	[sflag:s12] =	ssyncset.done $0x0  }
.Ltmp1:
0x4e: {  	s15 =	sadd.s32 s1, s15;
	[sflag:s12] =	ssyncadd.s32 $0xFFFF3000;
	(pc) =	sbr.rel @p0 .LBB2_2-.Ltmp1, $4  }
0x4f: {  	[hbm4b:s15+s3] =	stream.linear.scatter [tilespmem:s11], [sflag:$0x2], $0xD000, $0x38;
	[tilespmem:$0xDD00] =	vst v63  }
0x50: {  	_ =	swait.ge [sflag:s9], $0xD000  }
0x51: {  	[sflag:s9] =	ssyncset.done $0x0  }
0x52: {  	[sflag:s9] =	ssyncadd.s32 $0xFFFF3000  }
0x53: {  	s13 =	sadd.s32 $0x1, s13  }
0x54: {  	p0 =	sne.s32 s13, s8  }
.Ltmp2:
0x55: {  	_ = 	snop;
	(pc) =	sbr.rel @p0 .LBB2_1-.Ltmp2, $1  }
0x56: {  	_ =	sdelay $0x3  }
0x57: {  	_ =	sfence.sel $0x180000  }
0x58: {  	[bflag:$0x0] =	sbarrier.arrive $0xFFFF  }
0x59: {  	p0 =	sne.s32 s2, $0x0;
	_ =	strace $0x90000047  }
0x5a: {  	s0 =	sadd.s32 @!p0 $0x100000, s0;
	[bflag:$0x2] =	sbarrier.arrive $0xFFFF  }
0x5b: {  	[sflag:s0] =	ssyncadd.tile.s32 @!p0 $0x1;
	_ =	shalt  }
.Lfunc_end2:
_tile_overlayer_lowered:
.L_overlay_start_2:
0x5c: {  	(tag) =	ssettag $0x2  }
0x5d: {  	s0 =	rddreg [dreg:$0x0];
	s2 =	stileid.u32  }
0x5e: {  	s1 =	rddreg [dreg:$0x1];
	p0 =	sne.s32 s2, $0x0  }
0x5f: {  	s3 =	rddreg [dreg:$0x2];
	[bflag:$0x3] =	sbarrier.arrive $0xFFFF;
	s2 =	simm.s32 @!p0 $0x1C02  }
0x60: {  	[timem:s3], [sflag:s2] =	dma.local @!p0 [hbm:s0], s1  }
0x61: {  	s0 =	simm.s32 @!p0 $0x2  }
0x62: {  	_ =	swait.ge @!p0 [sflag:s0], s1  }
0x63: {  	s1 =	ssub.s32 @!p0 $0x0, s1;
	[sflag:s0] =	ssyncset.done @!p0 $0x0  }
0x64: {  	[sflag:s0] =	ssyncadd.s32 @!p0 s1  }
0x65: {  	[bflag:$0x3] =	sbarrier.arrive $0xFFFF  }
0x66: {  	_ =	shalt  }

// kernel: sparse-core-data-format-call.cloned.1.call-start
scs
called_computation_lowered:
.L_overlay_start_0:
0x0: {  	s2 =	sld [smem:$0x3FD9]  }
0x1: {  	s3 =	sld [smem:$0x3FFE];
	_ =	sdelay $0x1  }
0x2: {  	s1 =	srdreg.scid  }
0x3: {  	s0 =	sand.u32 $0x1, s1  }
0x4: {  	s18 =	sshll.u32 s0, $0xA;
	s2 =	sadd.s32 s3, s2  }
0x5: {  	s2 =	sadd.s32 s2, s18  }
0x6: {  	[smem:$0x3FC5] =	sst s2  }
0x7: {  	_ = 	snop  }
0x8: {  	s2 =	sld [smem:$0x3FD0];
	(tm) =	ssettm $0x1  }
0x9: {  	s19 =	sld [smem:$0x3FFB];
	_ =	sdelay $0x3  }
0xa: {  	_ =	strace s19  }
0xb: {  	s3 =	sld [smem:$0x3FFC];
	_ =	sdelay $0x3  }
0xc: {  	_ =	strace s3  }
0xd: {  	s3 =	sld [smem:$0x3FFD];
	_ =	sdelay $0x3  }
0xe: {  	_ =	strace s3  }
0xf: {  	_ =	strace $0x8FFFFFFF  }
0x10: {  	s20 =	sld [smem:$0x3FDB];
	_ =	sdelay $0x1  }
0x11: {  	s4 =	simm.s32 $_scs_section_size  }
0x12: {  	s5 =	simm.s32 $_size__tile_overlayer_lowered;
	s6 =	simm.s32 $_tile_overlayer_lowered  }
0x13: {  	s23 =	simm.s32 $0x1BFF;
	s22 =	sshll.u32 s6, $0x1;
	s3 =	sadd.s32 s4, s20  }
0x14: {  	s7 =	simm.s32 $0x0;
	s21 =	sshll.u32 s5, $0x1;
	s5 =	sadd.s32 s22, s3  }
0x15: {  	[timem:s7], [sflag:s23] =	dma.local [hbm:s5], s21  }
0x16: {  	_ =	swait.ge [sflag:s23], s21  }
0x17: {  	s4 =	ssub.s32 $0x0, s21;
	[sflag:s23] =	ssyncset.done $0x0  }
0x18: {  	[sflag:s23] =	ssyncadd.s32 s4;
	_ =	sdelay $0x1  }
0x19: {  	s24 =	simm.s32 $0x1B8B  }
0x1a: {  	_ =	swait.ge [sflag:s24], $0x1  }
0x1b: {  	[sflag:s24] =	ssyncset.done $0x0  }
0x1c: {  	s26 =	simm.s32 $0x1B8E;
	s25 =	sld [smem:$0x3FFE];
	[sflag:s24] =	ssyncadd.s32 $0xFFFFFFFF  }
0x1d: {  	s27 =	simm.s32 $execute0_lowered;
	[smem:$0x3FD2] =	sst s26  }
0x1e: {  	s5 =	sshll.u32 s27, $0x1;
	_ =	strace $0x80000049;
	[dreg:$0x1] =	wrdreg $0xFFFFFFFF  }
0x1f: {  	s28 =	simm.s32 $_size_execute0_lowered;
	s3 =	sadd.s32 s3, s5;
	[dreg:$0x0] =	wrdreg $0x0  }
0x20: {  	s5 =	sshll.u32 s28, $0x1;
	[dreg:$0x2] =	wrdreg s3  }
0x21: {  	[dreg:$0x3] =	wrdreg s5  }
0x22: {  	[dreg:$0x4] =	wrdreg $0xC0  }
0x23: {  	_ =	task [dreg:s7], $0x5FFFF  }
0x24: {  	[dreg:$0x1] =	wrdreg $0xFFFFFFFF  }
0x25: {  	[dreg:$0x0] =	wrdreg $0x60  }
0x26: {  	[dreg:$0x2] =	wrdreg s25  }
0x27: {  	[dreg:$0x3] =	wrdreg s2  }
0x28: {  	[dreg:$0x4] =	wrdreg $0x9  }
0x29: {  	_ =	task.clear_ibuf [dreg:s7], $0x5FFFF;
	_ =	strace $0x90000049  }
0x2a: {  	s29 =	simm.s32 $0x9;
	_ =	strace $0x8000004B  }
0x2b: {  	_ =	swait.ge [sflag:s29], $0x1  }
0x2c: {  	[sflag:s29] =	ssyncadd.s32 $0xFFFFFFFF  }
0x2d: {  	_ =	strace $0x9000004B  }
0x2e: {  	_ =	sfence  }
0x2f: {  	s30 =	sld [smem:$0x0];
	_ =	sdelay $0x2  }
0x30: {  	s31 =	sshll.u32 s1, $0xD;
	s1 =	sshrl.u32 s1, $0x2  }
0x31: {  	s3 =	sand.u32 $0x4000, s31;
	s1 =	sadd.s32 s1, s30  }
0x32: {  	s0 =	sor.u32 s3, s0;
	s1 =	sshll.u32 s1, $0x11  }
0x33: {  	s0 =	sor.u32 s1, s0  }
0x34: {  	s0 =	sadd.s32 $0x8F2B, s0  }
0x35: {  	[sflag:s0] =	ssyncadd.remote.s32 $0x1  }
0x36: {  	_ =	sfence.sel $0xFFFF  }
0x37: {  	[dreg:$0x0] =	wrdreg $0xFFFFFFFF;
	(pc) =	sbr.abs _section_cstart, $3  }
0x38: {  	[dreg:$0x1] =	wrdreg $0xFFFFFFFF  }
0x39: {  	_ =	task.clear_ibuf [dreg:s7], $0x2FFFF;
	_ =	strace $0x9FFFFFFF  }
0x3a: {  	(tm) =	ssettm $0x7FFFFFFF  }
0x3b: {  	_ =	shalt  }
tec
execute0_lowered:
.L_overlay_start_1:
0x0: {  	(tag) =	ssettag $0x1  }
0x1: {  	s0 =	srdreg.scid  }
0x2: {  	s1 =	sshll.u32 s0, $0x4  }
0x3: {  	s0 =	stileid.u32;
	s1 =	sand.u32 $0x10, s1  }
0x4: {  	s1 =	sor.u32 s0, s1  }
0x5: {  	s6 =	rddreg [dreg:$0x0];
	s4 =	simm.s32 $0x1;
	s2 =	sshll.u32 s1, $0x7  }
0x6: {  	s7 =	simm.s32 $0x2;
	s12 =	simm.s32 $0x0;
	s1 =	ssub.s32 $0x4000, s2  }
0x7: {  	s8 =	simm.s32 $0x20000;
	s13 =	simm.s32 $0x0;
	s3 =	sand.u32 $0xF80, s1  }
0x8: {  	s9 =	simm.s32 $0x0;
	s5 =	sshrl.u32 s1, $0xC;
	p0 =	sne.s32 s3, $0x0  }
.Ltmp0:
0x9: {  	s1 =	rddreg [dreg:$0x2];
	s4 =	simm.s32 @!p0 $0x0;
	(pc) =	sbr.rel .LBB1_1-.Ltmp0, $4  }
0xa: {  	s11 =	simm.s32 $0x0;
	s3 =	rddreg [dreg:$0x1];
	s5 =	sadd.s32 s4, s5  }
0xb: {  	_ =	strace $0x8000004A;
	s4 =	simm.s32 $0x1;
	s5 =	smul.u32 $0x1A, s5  }
0xc: {  	s6 =	sadd.s32 $0xC00, s6;
	s10 =	smov.u32 s2;
	[sflag:s4] =	ssyncpa.u1 $0x0  }
0xd: {  	p0 =	por $0x0, $0x0;
	[sflag:s7] =	ssyncpa.u1 $0x0;
	s7 =	sor.u32 $0x1, s5  }
.LBB1_4:
0xe: {  	s16 =	sshll.u32 s13, $0x3;
	s17 =	sand.u32 $0x78, s13  }
0xf: {  	s30 =	sand.u32 $0xF800, s13;
	s12 =	sshll.u32 s12, $0x10;
	s16 =	sand.u32 $0x3C00, s16  }
0x10: {  	s31 =	sand.u32 $0x7, s13;
	s16 =	sor.u32 s17, s16;
	s17 =	sadd.s32 s3, s30  }
0x11: {  	s13 =	sshll.u32 s31, $0x12;
	s16 =	sshrl.u32 s16, $0x3;
	s12 =	sadd.s32 s12, s17  }
0x12: {  	[tilespmem:s15+$0x0 ss:$0x81] =	vst.msk $0xffff, v0;
	s13 =	sor.u32 $0x400, s13;
	s12 =	sadd.s32 s16, s12  }
0x13: {  	[hbm4b:s12+s13] =	stream.strided.scatter [tilespmem:s14], [sflag:$0x2], $0x1000, s8, s13, $0x20;
	[tilespmem:$0x4040] =	vst v63  }
.LBB1_5:
0x14: {  	s14 =	sadd.s32 $0x1, s9  }
0x15: {  	s12 =	sadd.s32 $0x1000, s10;
	s16 =	smov.u32 s10;
	p2 =	sgt.s32 s14, $0x19  }
0x16: {  	s16 =	smov.u32 @p2 s12  }
0x17: {  	s14 =	simm.s32 @p2 $0x0;
	p2 =	sgt.s32 s16, $0x3FFF  }
0x18: {  	s16 =	smov.u32 @p2 s2;
	p2 =	sne.s32 s11, s7  }
.Ltmp1:
0x19: {  	p1 =	slt.u32 s11, $0x2;
	(pc) =	sbr.rel @!p2 .LBB1_6-.Ltmp1, $4  }
0x1a: {  	s15 =	simm.s32 @!p1 $0x2  }
0x1b: {  	s13 =	smov.u32 s10;
	p0 =	por !p0, !p0;
	_ =	swait.ge @!p1 [sflag:s15], $0x1000  }
0x1c: {  	s12 =	smov.u32 s9;
	[sflag:s15] =	ssyncset.done @!p1 $0x0;
	s9 =	smov.u32 s14  }
0x1d: {  	s11 =	sadd.s32 $0x1, s11;
	[sflag:s15] =	ssyncadd.s32 @!p1 $0xFFFFF000;
	s10 =	smov.u32 s16  }
.LBB1_1:
0x1e: {  	p1 =	sge.u32 s11, s5  }
0x1f: {  	s31 =	sadd.s32 $0xFFFFFFFF, s11;
	s14 =	sxor.u32 @!p1 $0xFFFFFFFF, s11  }
0x20: {  	s15 =	sshll.u32 @!p1 s10, $0x9;
	s16 =	sshll.u32 @!p1 s9, $0x4;
	s17 =	simm.s32 @!p1 $0x1000  }
0x21: {  	s14 =	sshll.u32 @!p1 s14, $0xC;
	s16 =	sand.u32 @!p1 $0x1F0, s16;
	s15 =	sadd.s32 @!p1 s6, s15  }
0x22: {  	s14 =	sand.u32 @!p1 $0x1000, s14;
	s15 =	sadd.s32 @!p1 s16, s15;
	s16 =	simm.s32 @!p1 $0x20  }
0x23: {  	[tilespmem:s14], [sflag:$0x1] =	stream.strided.gather @!p1 [hbm4b:s15+s16], $0x1000, s17, s16, $0x38;
	[tilespmem:$0x4040] =	vst v63  }
0x24: {  	p1 =	sge.u32 s31, s5  }
.Ltmp2:
0x25: {  	_ = 	snop;
	(pc) =	sbr.rel @p1 .LBB1_5-.Ltmp2, $1  }
0x26: {  	_ =	sdelay $0x3  }
0x27: {  	s14 =	simm.s32 $0x1  }
0x28: {  	_ =	swait.ge [sflag:s4], $0x1000;
	s14 =	simm.s32 @!p0 $0x0  }
0x29: {  	[sflag:s4] =	ssyncset.done $0x0;
	s15 =	sshll.u32 s14, $0xC  }
0x2a: {  	[sflag:s4] =	ssyncadd.s32 $0xFFFFF000;
	s18 =	sor.u32 $0x10, s15  }
0x2b: {  	s14 =	smul.u32 $0x4080, s14;
	v1 =	vld [tilespmem:s18+$0x0]  }
0x2c: {  	s30 =	sand.u32 $0x1, s11;
	v0 =	vld [tilespmem:s18+$0xFFFFFFF0]  }
0x2d: {  	s15 =	smul.u32 $0x4080, s30;
	s14 =	sshrl.u32 s14, $0x2  }
0x2e: {  	s16 =	sor.u32 $0x2000, s14  }
0x2f: {  	s31 =	sshrl.u32 s15, $0x2;
	s15 =	sadd.s32 $0x0, s16  }
0x30: {  	s17 =	simm.s32 $0x4;
	s18 =	sadd.s32 $0x20, s18;
	s14 =	sor.u32 $0x2000, s31;
	[tilespmem:s15+$0x810 ss:$0x81] =	vst.msk $0xffff, v1  }
.LBB1_3:
0x31: {  	v1 =	vld [tilespmem:s18+$0x0];
	p1 =	sne.s32 s17, $0x1FC;
	[tilespmem:s15+$0x0 ss:$0x81] =	vst.msk $0xffff, v0;
	s15 =	smov.u32 s17;
	s17 =	sadd.s32 $0x4, s17  }
.Ltmp3:
0x32: {  	v0 =	vld [tilespmem:s18+$0xFFFFFFF0];
	(pc) =	sbr.rel @p1 .LBB1_3-.Ltmp3, $4  }
0x33: {  	_ = 	snop  }
0x34: {  	s15 =	sshra.s32 s15, $0x2  }
0x35: {  	s15 =	sadd.s32 s15, s16  }
0x36: {  	s18 =	sadd.s32 $0x20, s18;
	[tilespmem:s15+$0x810 ss:$0x81] =	vst.msk $0xffff, v1  }
.Ltmp4:
0x37: {  	_ = 	snop;
	(pc) =	sbr.rel .LBB1_4-.Ltmp4, $1  }
0x38: {  	_ =	sdelay $0x3  }
.LBB1_6:
0x39: {  	_ =	sfence.sel $0x180000  }
0x3a: {  	s2 =	simm.s32 $0x1;
	[bflag:$0x0] =	sbarrier.arrive $0xFFFF  }
0x3b: {  	s31 =	simm.s32 $0x2;
	[sflag:s2] =	ssyncpa.u1 $0x1  }
0x3c: {  	[sflag:s31] =	ssyncpa.u1 $0x1  }
0x3d: {  	p0 =	sne.s32 s0, $0x0;
	_ =	strace $0x9000004A  }
0x3e: {  	s0 =	sadd.s32 @!p0 $0x100000, s1;
	[bflag:$0x2] =	sbarrier.arrive $0xFFFF  }
0x3f: {  	[sflag:s0] =	ssyncadd.tile.s32 @!p0 $0x1;
	_ =	shalt  }
.Lfunc_end1:
_tile_overlayer_lowered:
.L_overlay_start_2:
0x40: {  	(tag) =	ssettag $0x2  }
0x41: {  	s0 =	rddreg [dreg:$0x0];
	s2 =	stileid.u32  }
0x42: {  	s1 =	rddreg [dreg:$0x1];
	p0 =	sne.s32 s2, $0x0  }
0x43: {  	s3 =	rddreg [dreg:$0x2];
	[bflag:$0x3] =	sbarrier.arrive $0xFFFF;
	s2 =	simm.s32 @!p0 $0x1C01  }
0x44: {  	[timem:s3], [sflag:s2] =	dma.local @!p0 [hbm:s0], s1  }
0x45: {  	s0 =	simm.s32 @!p0 $0x1  }
0x46: {  	_ =	swait.ge @!p0 [sflag:s0], s1  }
0x47: {  	s1 =	ssub.s32 @!p0 $0x0, s1;
	[sflag:s0] =	ssyncset.done @!p0 $0x0  }
0x48: {  	[sflag:s0] =	ssyncadd.s32 @!p0 s1  }
0x49: {  	[bflag:$0x3] =	sbarrier.arrive $0xFFFF  }
0x4a: {  	_ =	shalt  }

</sc_bundles>
